<compile_context>
chip_gen: v7x
topology: tpu7x:2x2x1
jax: 0.10.2.dev20260603
libtpu: 0.0.44.dev20260713+nightly
codegen_flags: <defaults>
</compile_context>

<pallas_src>
import functools

import jax
import jax.numpy as jnp
from jax import lax
from jax.experimental import pallas as pl
from jax.experimental.pallas import tpu as pltpu
from jax.experimental.pallas import tpu_sc as plsc

_TOTAL_COMPONENTS = 128
_TOTAL_NODES = 50000
_TOTAL_EDGES = 800000

_GRID = 3
_FB = 20000
_COPY_BLOCKS = 2

_NW = 32


def kernel(node_features, edge_index, node_sizes, edge_sizes):
    num_nodes, d = node_features.shape
    num_edges = edge_index.shape[1]
    num_components = node_sizes.shape[0]
    pad_nodes = _TOTAL_NODES - num_nodes
    pad_edges = _TOTAL_EDGES - num_edges

    n_active = 25
    ech = num_edges // n_active
    half = ech // 2
    pch = pad_edges // n_active

    def f_body(nf_ref, pf_ref):
        i = pl.program_id(0)
        pf_ref[...] = jnp.where(i < _COPY_BLOCKS, nf_ref[...], 0.0)

    padded_features = pl.pallas_call(
        f_body,
        grid=(_GRID,),
        out_shape=jax.ShapeDtypeStruct((_TOTAL_NODES, d),
                                       node_features.dtype),
        in_specs=[pl.BlockSpec(
            (_FB, d), lambda i: (jnp.minimum(i, _COPY_BLOCKS - 1), 0))],
        out_specs=pl.BlockSpec((_FB, d), lambda i: (i, 0)),
    )(node_features)

    mesh = plsc.VectorSubcoreMesh(core_axis_name="c", subcore_axis_name="s")

    @functools.partial(
        pl.kernel,
        out_type=jax.ShapeDtypeStruct((2, _TOTAL_EDGES), edge_index.dtype),
        mesh=mesh,
        scratch_types=[
            pltpu.VMEM((2, half), edge_index.dtype),
            pltpu.VMEM((2, half), edge_index.dtype),
            pltpu.VMEM((2, pch), edge_index.dtype),
            pltpu.SemaphoreType.DMA,
            pltpu.SemaphoreType.DMA,
            pltpu.SemaphoreType.DMA,
        ],
    )
    def edge_pad(ei_hbm, out_hbm, buf0, buf1, fill, s0, s1, s2):
        wid = lax.axis_index("s") * 2 + lax.axis_index("c")

        @pl.when(wid < n_active)
        def _():
            base = wid * ech
            pbase = num_edges + wid * pch

            in0 = pltpu.async_copy(
                ei_hbm.at[:, pl.ds(base, half)], buf0, s0)
            in1 = pltpu.async_copy(
                ei_hbm.at[:, pl.ds(base + half, half)], buf1, s1)

            def fill_body(j, carry):
                fill[0, pl.ds(j * 16, 16)] = jnp.full(
                    (16,), num_nodes, edge_index.dtype)
                fill[1, pl.ds(j * 16, 16)] = jnp.full(
                    (16,), num_nodes, edge_index.dtype)
                return carry
            lax.fori_loop(0, pch // 16, fill_body, 0)

            in0.wait()
            out0 = pltpu.async_copy(
                buf0, out_hbm.at[:, pl.ds(base, half)], s0)
            in1.wait()
            out1 = pltpu.async_copy(
                buf1, out_hbm.at[:, pl.ds(base + half, half)], s1)
            f = pltpu.async_copy(
                fill, out_hbm.at[:, pl.ds(pbase, pch)], s2)
            out0.wait()
            out1.wait()
            f.wait()

    padded_edge_index = edge_pad(edge_index)

    padded_node_sizes = (
        jnp.zeros((_TOTAL_COMPONENTS,), dtype=node_sizes.dtype)
        .at[:num_components].set(node_sizes)
        .at[num_components].set(jnp.asarray(pad_nodes, node_sizes.dtype)))
    padded_edge_sizes = (
        jnp.zeros((_TOTAL_COMPONENTS,), dtype=edge_sizes.dtype)
        .at[:num_components].set(edge_sizes)
        .at[num_components].set(jnp.asarray(pad_edges, edge_sizes.dtype)))
    component_mask = jnp.arange(_TOTAL_COMPONENTS) < num_components

    return (
        padded_features,
        padded_edge_index,
        padded_node_sizes,
        padded_edge_sizes,
        component_mask,
    )

# --- scband reference (transcript-rebuilt; emitter-appended) ---
"""Pipeline reference for scband-pad-to-total-sizes-66537633350258 (READ-ONLY COPY).

The authoritative reference and input builder live on the scoring server;
editing this copy changes nothing except your own understanding.
"""

import jax, jax.numpy as jnp
import numpy as np

# Size constraints (from init_kwargs / sizes_constraints)
TOTAL_COMPONENTS = 128
TOTAL_NODES = 50000
TOTAL_EDGES = 800000

NUM_NODES = 40000
NUM_EDGES = 640000
NUM_COMPONENTS = 64
D_FEAT = 128


def setup_inputs(seed: int = 0) -> dict:
    key = jax.random.key(seed)
    k1, k2 = jax.random.split(key)
    node_features = jax.random.normal(k1, (NUM_NODES, D_FEAT), dtype=jnp.float32)
    edge_index = jax.random.randint(k2, (2, NUM_EDGES), 0, NUM_NODES, dtype=jnp.int32)
    # Per-component sizes; constructed consistent so they sum to NUM_NODES / NUM_EDGES
    node_sizes = jnp.full((NUM_COMPONENTS,), NUM_NODES // NUM_COMPONENTS, dtype=jnp.int32)
    edge_sizes = jnp.full((NUM_COMPONENTS,), NUM_EDGES // NUM_COMPONENTS, dtype=jnp.int32)
    return {
        "node_features": node_features,
        "edge_index": edge_index,
        "node_sizes": node_sizes,
        "edge_sizes": edge_sizes,
    }


def reference(node_features, edge_index, node_sizes, edge_sizes):
    """JAX translation of tfgnn.pad_to_total_sizes on a flat GraphTensor repr.

    The GraphTensor is represented by:
      node_features: [num_nodes, d]  (node set features)
      edge_index:    [2, num_edges]  (source/target node ids)
      node_sizes:    [num_components] nodes per graph component
      edge_sizes:    [num_components] edges per graph component
    Padding appends zero-feature padding nodes, padding edges that connect a
    padding node to itself, and empty padding components (all extra nodes and
    edges assigned to the first padding component, as tfgnn allows).
    Returns the padded graph pieces plus the boolean component padding mask.
    """
    num_nodes = node_features.shape[0]
    num_edges = edge_index.shape[1]
    num_components = node_sizes.shape[0]

    pad_nodes = TOTAL_NODES - num_nodes
    pad_edges = TOTAL_EDGES - num_edges

    # Pad node features with zeros (tfgnn default padding value).
    padded_features = jnp.pad(node_features, ((0, pad_nodes), (0, 0)))

    # Padding edges point at the first padding node (self-loop on a pad node).
    padded_edge_index = jnp.pad(
        edge_index, ((0, 0), (0, pad_edges)), constant_values=num_nodes
    )

    # Extend per-component sizes: all padding nodes/edges go to the first
    # padding component; remaining padding components are empty.
    padded_node_sizes = (
        jnp.zeros((TOTAL_COMPONENTS,), dtype=node_sizes.dtype)
        .at[:num_components].set(node_sizes)
        .at[num_components].set(jnp.asarray(pad_nodes, dtype=node_sizes.dtype))
    )
    padded_edge_sizes = (
        jnp.zeros((TOTAL_COMPONENTS,), dtype=edge_sizes.dtype)
        .at[:num_components].set(edge_sizes)
        .at[num_components].set(jnp.asarray(pad_edges, dtype=edge_sizes.dtype))
    )

    # Component padding mask: True for real components, False for padding.
    component_mask = jnp.arange(TOTAL_COMPONENTS) < num_components

    return (
        padded_features,
        padded_edge_index,
        padded_node_sizes,
        padded_edge_sizes,
        component_mask,
    )

if __name__ == "__main__":
    import jax
    _d = setup_inputs()
    print(jax.jit(kernel)(*tuple(_d.values())))

</pallas_src>

<mosaic_0001>
#map = affine_map<(d0, d1) -> (0, 0)>
module attributes {stable_mosaic.version = 14 : i64} {
  func.func @edge_pad(%arg0: i32, %arg1: i32, %arg2: memref<2x640000xi32, #tpu.memory_space<hbm>>, %arg3: memref<2x800000xi32, #tpu.memory_space<hbm>>, %arg4: memref<2x12800xi32, #tpu.memory_space<vmem>>, %arg5: memref<2x12800xi32, #tpu.memory_space<vmem>>, %arg6: memref<2x6400xi32, #tpu.memory_space<vmem>>, %arg7: memref<!tpu.dma_semaphore, #tpu.memory_space<semaphore_mem>>, %arg8: memref<!tpu.dma_semaphore, #tpu.memory_space<semaphore_mem>>, %arg9: memref<!tpu.dma_semaphore, #tpu.memory_space<semaphore_mem>>) attributes {dimension_semantics = [#tpu.dimension_semantics<core_parallel>, #tpu.dimension_semantics<subcore_parallel>], iteration_bounds = array<i64: 2, 16>, scalar_prefetch = 0 : i64, scratch_operands = 6 : i64, tpu.core_type = #tpu.core_type<sc_vector_subcore>, window_params = [{transform_indices = #map}, {transform_indices = #map}]} {
    %mul3A = arith.constant 2 : i32
    %mul3A_0 = arith.muli %arg1, %mul3A : i32
    %add3A = arith.addi %mul3A_0, %arg0 : i32
    %lt3A = arith.constant 25 : i32
    %lt3A_1 = arith.cmpi slt, %add3A, %lt3A : i32
    %convert_element_type3A = arith.extui %lt3A_1 : i1 to i32
    %cond3A = arith.constant 0 : i32
    %cond3A_2 = arith.cmpi ne, %convert_element_type3A, %cond3A : i32
    scf.if %cond3A_2 {
      %mul3A_3 = arith.constant 25600 : i32
      %mul3A_4 = arith.muli %add3A, %mul3A_3 : i32
      %mul3A_5 = arith.constant 6400 : i32
      %mul3A_6 = arith.muli %add3A, %mul3A_5 : i32
      %add3A_7 = arith.constant 640000 : i32
      %add3A_8 = arith.addi %add3A_7, %mul3A_6 : i32
      %dma_start3A = arith.constant 0 : i32
      %dma_start3A_9 = tpu.memref_slice %arg2[%dma_start3A, %mul3A_4] : memref<2x640000xi32, #tpu.memory_space<hbm>> -> memref<2x12800xi32, #tpu.memory_space<hbm>>
      %dma_start3A_10 = arith.constant 0 : i32
      %dma_start3A_11 = tpu.memref_slice %arg2[%dma_start3A_10, %mul3A_4] : memref<2x640000xi32, #tpu.memory_space<hbm>> -> memref<2x12800xi32, #tpu.memory_space<hbm>>
      tpu.enqueue_dma source(%dma_start3A_11 : memref<2x12800xi32, #tpu.memory_space<hbm>>) target(%arg4 : memref<2x12800xi32, #tpu.memory_space<vmem>>) target_semaphore(%arg7 : memref<!tpu.dma_semaphore, #tpu.memory_space<semaphore_mem>>)
      %add3A_12 = arith.constant 12800 : i32
      %add3A_13 = arith.addi %mul3A_4, %add3A_12 : i32
      %dma_start3A_14 = arith.constant 0 : i32
      %dma_start3A_15 = tpu.memref_slice %arg2[%dma_start3A_14, %add3A_13] : memref<2x640000xi32, #tpu.memory_space<hbm>> -> memref<2x12800xi32, #tpu.memory_space<hbm>>
      %dma_start3A_16 = arith.constant 0 : i32
      %dma_start3A_17 = tpu.memref_slice %arg2[%dma_start3A_16, %add3A_13] : memref<2x640000xi32, #tpu.memory_space<hbm>> -> memref<2x12800xi32, #tpu.memory_space<hbm>>
      tpu.enqueue_dma source(%dma_start3A_17 : memref<2x12800xi32, #tpu.memory_space<hbm>>) target(%arg5 : memref<2x12800xi32, #tpu.memory_space<vmem>>) target_semaphore(%arg8 : memref<!tpu.dma_semaphore, #tpu.memory_space<semaphore_mem>>)
      %scan3A = arith.constant 0 : i32
      %scan3A_18 = arith.constant 0 : i32
      %scan3A_19 = arith.constant 400 : i32
      %scan3A_20 = arith.addi %scan3A_18, %scan3A_19 : i32
      %scan3A_21 = arith.constant 1 : i32
      scf.for %scan3A_56 = %scan3A_18 to %scan3A_20 step %scan3A_21  : i32 {
        %broadcast_in_dim3A = arith.constant 40000 : i32
        %broadcast_in_dim3A_57 = vector.broadcast %broadcast_in_dim3A : i32 to vector<16xi32>
        %mul3A_58 = arith.constant 16 : i32
        %mul3A_59 = arith.muli %scan3A_56, %mul3A_58 : i32
        %swap3A = arith.constant 0 : i32
        %swap3A_60 = arith.index_cast %swap3A : i32 to index
        %swap3A_61 = arith.index_cast %mul3A_59 : i32 to index
        %swap3A_62 = tpu.vector_load %arg6[%swap3A_60, %swap3A_61] {strides = array<i32>} : memref<2x6400xi32, #tpu.memory_space<vmem>>, vector<1x16xi32>,
        %swap3A_63 = vector.shape_cast %swap3A_62 : vector<1x16xi32> to vector<16xi32>
        %swap3A_64 = vector.shape_cast %broadcast_in_dim3A_57 : vector<16xi32> to vector<1x16xi32>
        tpu.vector_store %arg6[%swap3A_60, %swap3A_61], %swap3A_64 {strides = array<i32>} : memref<2x6400xi32, #tpu.memory_space<vmem>>, vector<1x16xi32>,
        %broadcast_in_dim3A_65 = arith.constant 40000 : i32
        %broadcast_in_dim3A_66 = vector.broadcast %broadcast_in_dim3A_65 : i32 to vector<16xi32>
        %mul3A_67 = arith.constant 16 : i32
        %mul3A_68 = arith.muli %scan3A_56, %mul3A_67 : i32
        %swap3A_69 = arith.constant 1 : i32
        %swap3A_70 = arith.index_cast %swap3A_69 : i32 to index
        %swap3A_71 = arith.index_cast %mul3A_68 : i32 to index
        %swap3A_72 = tpu.vector_load %arg6[%swap3A_70, %swap3A_71] {strides = array<i32>} : memref<2x6400xi32, #tpu.memory_space<vmem>>, vector<1x16xi32>,
        %swap3A_73 = vector.shape_cast %swap3A_72 : vector<1x16xi32> to vector<16xi32>
        %swap3A_74 = vector.shape_cast %broadcast_in_dim3A_66 : vector<16xi32> to vector<1x16xi32>
        tpu.vector_store %arg6[%swap3A_70, %swap3A_71], %swap3A_74 {strides = array<i32>} : memref<2x6400xi32, #tpu.memory_space<vmem>>, vector<1x16xi32>,
      }
      %scan3A_22 = arith.constant 400 : i32
      %dma_wait3A = arith.constant 0 : i32
      %dma_wait3A_23 = tpu.memref_slice %arg2[%dma_wait3A, %mul3A_4] : memref<2x640000xi32, #tpu.memory_space<hbm>> -> memref<2x12800xi32, #tpu.memory_space<hbm>>
      %dma_wait3A_24 = arith.constant 0 : i32
      %dma_wait3A_25 = tpu.memref_slice %arg2[%dma_wait3A_24, %mul3A_4] : memref<2x640000xi32, #tpu.memory_space<hbm>> -> memref<2x12800xi32, #tpu.memory_space<hbm>>
      tpu.wait_dma2 semaphore(%arg7 : memref<!tpu.dma_semaphore, #tpu.memory_space<semaphore_mem>>) src(%dma_wait3A_25 : memref<2x12800xi32, #tpu.memory_space<hbm>>) dst(%arg4 : memref<2x12800xi32, #tpu.memory_space<vmem>>)
      %dma_start3A_26 = arith.constant 0 : i32
      %dma_start3A_27 = tpu.memref_slice %arg3[%dma_start3A_26, %mul3A_4] : memref<2x800000xi32, #tpu.memory_space<hbm>> -> memref<2x12800xi32, #tpu.memory_space<hbm>>
      %dma_start3A_28 = arith.constant 0 : i32
      %dma_start3A_29 = tpu.memref_slice %arg3[%dma_start3A_28, %mul3A_4] : memref<2x800000xi32, #tpu.memory_space<hbm>> -> memref<2x12800xi32, #tpu.memory_space<hbm>>
      tpu.enqueue_dma source(%arg4 : memref<2x12800xi32, #tpu.memory_space<vmem>>) target(%dma_start3A_29 : memref<2x12800xi32, #tpu.memory_space<hbm>>) target_semaphore(%arg7 : memref<!tpu.dma_semaphore, #tpu.memory_space<semaphore_mem>>)
      %dma_wait3A_30 = arith.constant 0 : i32
      %dma_wait3A_31 = tpu.memref_slice %arg2[%dma_wait3A_30, %add3A_13] : memref<2x640000xi32, #tpu.memory_space<hbm>> -> memref<2x12800xi32, #tpu.memory_space<hbm>>
      %dma_wait3A_32 = arith.constant 0 : i32
      %dma_wait3A_33 = tpu.memref_slice %arg2[%dma_wait3A_32, %add3A_13] : memref<2x640000xi32, #tpu.memory_space<hbm>> -> memref<2x12800xi32, #tpu.memory_space<hbm>>
      tpu.wait_dma2 semaphore(%arg8 : memref<!tpu.dma_semaphore, #tpu.memory_space<semaphore_mem>>) src(%dma_wait3A_33 : memref<2x12800xi32, #tpu.memory_space<hbm>>) dst(%arg5 : memref<2x12800xi32, #tpu.memory_space<vmem>>)
      %add3A_34 = arith.constant 12800 : i32
      %add3A_35 = arith.addi %mul3A_4, %add3A_34 : i32
      %dma_start3A_36 = arith.constant 0 : i32
      %dma_start3A_37 = tpu.memref_slice %arg3[%dma_start3A_36, %add3A_35] : memref<2x800000xi32, #tpu.memory_space<hbm>> -> memref<2x12800xi32, #tpu.memory_space<hbm>>
      %dma_start3A_38 = arith.constant 0 : i32
      %dma_start3A_39 = tpu.memref_slice %arg3[%dma_start3A_38, %add3A_35] : memref<2x800000xi32, #tpu.memory_space<hbm>> -> memref<2x12800xi32, #tpu.memory_space<hbm>>
      tpu.enqueue_dma source(%arg5 : memref<2x12800xi32, #tpu.memory_space<vmem>>) target(%dma_start3A_39 : memref<2x12800xi32, #tpu.memory_space<hbm>>) target_semaphore(%arg8 : memref<!tpu.dma_semaphore, #tpu.memory_space<semaphore_mem>>)
      %dma_start3A_40 = arith.constant 0 : i32
      %dma_start3A_41 = tpu.memref_slice %arg3[%dma_start3A_40, %add3A_8] : memref<2x800000xi32, #tpu.memory_space<hbm>> -> memref<2x6400xi32, #tpu.memory_space<hbm>>
      %dma_start3A_42 = arith.constant 0 : i32
      %dma_start3A_43 = tpu.memref_slice %arg3[%dma_start3A_42, %add3A_8] : memref<2x800000xi32, #tpu.memory_space<hbm>> -> memref<2x6400xi32, #tpu.memory_space<hbm>>
      tpu.enqueue_dma source(%arg6 : memref<2x6400xi32, #tpu.memory_space<vmem>>) target(%dma_start3A_43 : memref<2x6400xi32, #tpu.memory_space<hbm>>) target_semaphore(%arg9 : memref<!tpu.dma_semaphore, #tpu.memory_space<semaphore_mem>>)
      %dma_wait3A_44 = arith.constant 0 : i32
      %dma_wait3A_45 = tpu.memref_slice %arg3[%dma_wait3A_44, %mul3A_4] : memref<2x800000xi32, #tpu.memory_space<hbm>> -> memref<2x12800xi32, #tpu.memory_space<hbm>>
      %dma_wait3A_46 = arith.constant 0 : i32
      %dma_wait3A_47 = tpu.memref_slice %arg3[%dma_wait3A_46, %mul3A_4] : memref<2x800000xi32, #tpu.memory_space<hbm>> -> memref<2x12800xi32, #tpu.memory_space<hbm>>
      tpu.wait_dma2 semaphore(%arg7 : memref<!tpu.dma_semaphore, #tpu.memory_space<semaphore_mem>>) src(%arg4 : memref<2x12800xi32, #tpu.memory_space<vmem>>) dst(%dma_wait3A_47 : memref<2x12800xi32, #tpu.memory_space<hbm>>)
      %dma_wait3A_48 = arith.constant 0 : i32
      %dma_wait3A_49 = tpu.memref_slice %arg3[%dma_wait3A_48, %add3A_35] : memref<2x800000xi32, #tpu.memory_space<hbm>> -> memref<2x12800xi32, #tpu.memory_space<hbm>>
      %dma_wait3A_50 = arith.constant 0 : i32
      %dma_wait3A_51 = tpu.memref_slice %arg3[%dma_wait3A_50, %add3A_35] : memref<2x800000xi32, #tpu.memory_space<hbm>> -> memref<2x12800xi32, #tpu.memory_space<hbm>>
      tpu.wait_dma2 semaphore(%arg8 : memref<!tpu.dma_semaphore, #tpu.memory_space<semaphore_mem>>) src(%arg5 : memref<2x12800xi32, #tpu.memory_space<vmem>>) dst(%dma_wait3A_51 : memref<2x12800xi32, #tpu.memory_space<hbm>>)
      %dma_wait3A_52 = arith.constant 0 : i32
      %dma_wait3A_53 = tpu.memref_slice %arg3[%dma_wait3A_52, %add3A_8] : memref<2x800000xi32, #tpu.memory_space<hbm>> -> memref<2x6400xi32, #tpu.memory_space<hbm>>
      %dma_wait3A_54 = arith.constant 0 : i32
      %dma_wait3A_55 = tpu.memref_slice %arg3[%dma_wait3A_54, %add3A_8] : memref<2x800000xi32, #tpu.memory_space<hbm>> -> memref<2x6400xi32, #tpu.memory_space<hbm>>
      tpu.wait_dma2 semaphore(%arg9 : memref<!tpu.dma_semaphore, #tpu.memory_space<semaphore_mem>>) src(%arg6 : memref<2x6400xi32, #tpu.memory_space<vmem>>) dst(%dma_wait3A_55 : memref<2x6400xi32, #tpu.memory_space<hbm>>)
    } else {
    }
    return
  }
}

module attributes {stable_mosaic.version = 14 : i64} {
  func.func @f_body(%arg0: i32, %arg1: memref<20000x128xf32, #tpu.memory_space<vmem>>, %arg2: memref<20000x128xf32, #tpu.memory_space<vmem>>) attributes {dimension_semantics = [#tpu.dimension_semantics<arbitrary>], iteration_bounds = array<i64: 3>, scalar_prefetch = 0 : i64, scratch_operands = 0 : i64, tpu.core_type = #tpu.core_type<tc>, window_params = [{transform_indices = @transform_0, window_bounds = array<i64: 20000, 128>}, {transform_indices = @transform_1, window_bounds = array<i64: 20000, 128>}]} {
    %lt3A = arith.constant 2 : i32
    %lt3A_0 = arith.cmpi slt, %arg0, %lt3A : i32
    %get3A = arith.constant 0 : index
    %get3A_1 = arith.constant 0 : index
    %get3A_2 = vector.load %arg1[%get3A, %get3A_1] : memref<20000x128xf32, #tpu.memory_space<vmem>>, vector<20000x128xf32>
    %jit3A = arith.constant 0.000000e+00 : f32
    %broadcast_in_dim3A = vector.broadcast %jit3A : f32 to vector<20000x128xf32>
    %select_n3A = arith.select %lt3A_0, %get3A_2, %broadcast_in_dim3A : vector<20000x128xf32>
    %swap3A = arith.constant 0 : index
    %swap3A_3 = arith.constant 0 : index
    %swap3A_4 = vector.load %arg2[%swap3A, %swap3A_3] : memref<20000x128xf32, #tpu.memory_space<vmem>>, vector<20000x128xf32>
    tpu.vector_store %arg2[%swap3A, %swap3A_3], %select_n3A {strides = array<i32>} : memref<20000x128xf32, #tpu.memory_space<vmem>>, vector<20000x128xf32>,
    return
  }
  func.func @transform_0(%arg0: i32) -> (i32, i32) {
    %min3A = arith.constant 1 : i32
    %min3A_0 = arith.minsi %arg0, %min3A : i32
    %c0_i32 = arith.constant 0 : i32
    %c0_i32_1 = arith.constant 0 : i32
    return %min3A_0, %c0_i32 : i32, i32
  }
  func.func @transform_1(%arg0: i32) -> (i32, i32) {
    %c0_i32 = arith.constant 0 : i32
    %c0_i32_0 = arith.constant 0 : i32
    return %arg0, %c0_i32 : i32, i32
  }
}

</mosaic_0001>

<sc_bundles>
// kernel: kernel.4.cloned.1.call-start
scs
__scs_entry_jumppad:
0x0: {  	(pc) =	sbr.rel $0x88, $3  }
0x1: {  	(tag) =	ssettag $0x0;
	lr =	simm.s32 $0x1  }
0x2: {  	[smem:$0x3F9D] =	sst lr;
	_ =	strace $0xD0000000  }
0x3: {  	_ = 	snop  }
0x4: {  	_ = 	snop  }
0x5: {  	_ = 	snop  }
0x6: {  	_ = 	snop  }
0x7: {  	_ = 	snop  }
__scs_overlays_trampoline_lowered:
0x8: {  	[smem:$0x3FAC] =	sst s0  }
0x9: {  	[smem:$0x3FAD] =	sst s1  }
0xa: {  	[smem:$0x3FAE] =	sst s2  }
0xb: {  	[smem:$0x3FAF] =	sst s3  }
0xc: {  	[smem:$0x3FB0] =	sst s4  }
0xd: {  	[smem:$0x3FB1] =	sst s5  }
0xe: {  	[smem:$0x3FB2] =	sst s6  }
0xf: {  	[smem:$0x3FB3] =	sst s7  }
0x10: {  	[smem:$0x3FB4] =	sst s8  }
0x11: {  	[smem:$0x3FB5] =	sst s9;
	s0 =	simm.s32 @!p0 $0x0  }
0x12: {  	s1 =	sld [smem:$0x3F9B];
	s0 =	simm.s32 @p0 $0x1  }
0x13: {  	[smem:$0x3FB6] =	sst s0;
	s0 =	simm.s32 @!p1 $0x0  }
0x14: {  	s2 =	sld [smem:$0x3F9A];
	s0 =	simm.s32 @p1 $0x1  }
0x15: {  	[smem:$0x3FB7] =	sst s0;
	s0 =	simm.s32 @!p2 $0x0  }
0x16: {  	s3 =	sld [smem:$0x3FDB];
	s0 =	simm.s32 @p2 $0x1  }
0x17: {  	s4 =	simm.s32 $0x1BF5;
	[smem:$0x3FB9] =	sst s0  }
0x18: {  	s0 =	sld [smem:$0x3F9C];
	_ =	swait.ge [sflag:s4], $0x0  }
0x19: {  	s7 =	sld [smem:$0x3F9D]  }
0x1a: {  	s8 =	sadd.s32 $0xFFFFE003, lr  }
0x1b: {  	s9 =	sadd.s32 $0xFFFFFEF7, lr;
	s5 =	simm.s32 $0xFFFFFFFF;
	p2 =	slt.u32 s8, $0xFFFFF086  }
0x1c: {  	p1 =	slt.u32 s9, $0xF7A;
	s5 =	simm.s32 @!p2 $0x0  }
0x1d: {  	s5 =	simm.s32 @p1 $0x1;
	p0 =	seq.s32 s7, s2  }
0x1e: {  	s7 =	smul.u32 @!p0 $0xF7A, s2;
	p2 =	seq.s32 @!p0 s5, $0x0  }
0x1f: {  	s9 =	smul.u32 $0xF7A, s1;
	s8 =	simm.s32 @!p0 $0x1BF5;
	p2 =	por !p2, p0  }
0x20: {  	[sflag:s8] =	ssyncset.s32 @!p0 $0xFFFFF086;
	s6 =	sadd.s32 @!p0 s3, s7;
	s7 =	simm.s32 @!p0 $0x108  }
0x21: {  	s3 =	sadd.s32 s3, s9;
	s6 =	sadd.s32 @!p0 $0x88, s6;
	s7 =	simm.s32 @p2 $0x1082  }
0x22: {  	[simem:s7], [sflag:s8] =	dma.local @!p0 [hbm:s6], $0xF7A  }
0x23: {  	s9 =	sor.u32 $0xD0000000, s2;
	s6 =	simm.s32 $0x108;
	_ =	swait.ge @!p0 [sflag:s8], $0x0  }
0x24: {  	s3 =	sadd.s32 $0x88, s3;
	s6 =	simm.s32 @!p1 $0x1082;
	[sflag:s4] =	ssyncset.s32 $0xFFFFF086  }
0x25: {  	[simem:s6], [sflag:s4] =	dma.local [hbm:s3], $0xF7A  }
0x26: {  	[smem:$0x3F9D] =	sst s1;
	(tag) =	ssettag s2;
	_ =	strace s9  }
0x27: {  	s1 =	sld [smem:$0x3FAD]  }
0x28: {  	s2 =	sld [smem:$0x3FAE]  }
0x29: {  	s4 =	sld [smem:$0x3FB0]  }
0x2a: {  	p0 =	seq.s32 s5, $0x0;
	s5 =	sld [smem:$0x3FB1]  }
0x2b: {  	s6 =	sld [smem:$0x3FB2]  }
0x2c: {  	s7 =	sld [smem:$0x3FB3]  }
0x2d: {  	s3 =	simm.s32 $0x108;
	s8 =	sld [smem:$0x3FB4]  }
0x2e: {  	s3 =	simm.s32 @!p0 $0x1082;
	s9 =	sld [smem:$0x3FB5]  }
0x2f: {  	lr =	sadd.s32 s0, s3;
	s0 =	sld [smem:$0x3FAC]  }
0x30: {  	s3 =	sld [smem:$0x3FAF]  }
0x31: {  	[smem:$0x3FB8] =	sst s10  }
0x32: {  	s10 =	sld [smem:$0x3FB6];
	_ =	sdelay $0x3  }
0x33: {  	p0 =	seq.s32 s10, $0x1;
	s10 =	sld [smem:$0x3FB8];
	_ =	sdelay $0x3  }
0x34: {  	[smem:$0x3FB8] =	sst s10  }
0x35: {  	s10 =	sld [smem:$0x3FB7];
	_ =	sdelay $0x3  }
0x36: {  	p1 =	seq.s32 s10, $0x1;
	s10 =	sld [smem:$0x3FB8];
	_ =	sdelay $0x3  }
0x37: {  	[smem:$0x3FB8] =	sst s10  }
0x38: {  	s10 =	sld [smem:$0x3FB9]  }
0x39: {  	_ = 	snop;
	(pc) =	sbr.ind lr, $3  }
0x3a: {  	_ = 	snop  }
0x3b: {  	_ = 	snop  }
0x3c: {  	p2 =	seq.s32 s10, $0x1;
	s10 =	sld [smem:$0x3FB8]  }
0x3d: {  	_ =	shalt  }
0x3e: {  	_ =	shalt  }
0x3f: {  	_ =	shalt  }
0x40: {  	_ =	shalt  }
0x41: {  	_ =	shalt  }
0x42: {  	_ =	shalt  }
0x43: {  	_ =	shalt  }
0x44: {  	_ =	shalt  }
0x45: {  	_ =	shalt  }
0x46: {  	_ =	shalt  }
0x47: {  	_ =	shalt  }
0x48: {  	_ =	shalt  }
0x49: {  	_ =	shalt  }
0x4a: {  	_ =	shalt  }
0x4b: {  	_ =	shalt  }
0x4c: {  	_ =	shalt  }
0x4d: {  	_ =	shalt  }
0x4e: {  	_ =	shalt  }
0x4f: {  	_ =	shalt  }
0x50: {  	_ =	shalt  }
0x51: {  	_ =	shalt  }
0x52: {  	_ =	shalt  }
0x53: {  	_ =	shalt  }
0x54: {  	_ =	shalt  }
0x55: {  	_ =	shalt  }
0x56: {  	_ =	shalt  }
0x57: {  	_ =	shalt  }
0x58: {  	_ =	shalt  }
0x59: {  	_ =	shalt  }
0x5a: {  	_ =	shalt  }
0x5b: {  	_ =	shalt  }
0x5c: {  	_ =	shalt  }
0x5d: {  	_ =	shalt  }
0x5e: {  	_ =	shalt  }
0x5f: {  	_ =	shalt  }
0x60: {  	_ =	shalt  }
0x61: {  	_ =	shalt  }
0x62: {  	_ =	shalt  }
0x63: {  	_ =	shalt  }
0x64: {  	_ =	shalt  }
0x65: {  	_ =	shalt  }
0x66: {  	_ =	shalt  }
0x67: {  	_ =	shalt  }
0x68: {  	_ =	shalt  }
0x69: {  	_ =	shalt  }
0x6a: {  	_ =	shalt  }
0x6b: {  	_ =	shalt  }
0x6c: {  	_ =	shalt  }
0x6d: {  	_ =	shalt  }
0x6e: {  	_ =	shalt  }
0x6f: {  	_ =	shalt  }
0x70: {  	_ =	shalt  }
0x71: {  	_ =	shalt  }
0x72: {  	_ =	shalt  }
0x73: {  	_ =	shalt  }
0x74: {  	_ =	shalt  }
0x75: {  	_ =	shalt  }
0x76: {  	_ =	shalt  }
0x77: {  	_ =	shalt  }
0x78: {  	_ =	shalt  }
0x79: {  	_ =	shalt  }
0x7a: {  	_ =	shalt  }
0x7b: {  	_ =	shalt  }
0x7c: {  	_ =	shalt  }
0x7d: {  	_ =	shalt  }
0x7e: {  	_ =	shalt  }
0x7f: {  	_ =	shalt  }
0x80: {  	_ =	shalt  }
0x81: {  	_ =	shalt  }
0x82: {  	_ =	shalt  }
0x83: {  	_ =	shalt  }
0x84: {  	_ =	shalt  }
0x85: {  	_ =	shalt  }
0x86: {  	_ =	shalt  }
0x87: {  	_ =	shalt  }
.Lfunc_end0:
.L_simem_size_0:
called_computation_lowered:
.L_overlay_start_0:
0x88: {  	s2 =	sld [smem:$0x3FD9]  }
0x89: {  	s3 =	sld [smem:$0x3FFE];
	_ =	sdelay $0x1  }
0x8a: {  	s1 =	srdreg.scid  }
0x8b: {  	s0 =	sand.u32 $0x1, s1  }
0x8c: {  	s15 =	sshll.u32 s0, $0xA;
	s2 =	sadd.s32 s3, s2  }
0x8d: {  	s2 =	sadd.s32 s2, s15  }
0x8e: {  	[smem:$0x3FC4] =	sst s2  }
0x8f: {  	_ = 	snop  }
0x90: {  	s2 =	sld [smem:$0x3FD0];
	_ =	sdelay $0x2  }
0x91: {  	s4 =	simm.s32 $0xA;
	s5 =	simm.s32 $0x10;
	s16 =	sld [smem:$0x3FC8]  }
0x92: {  	[smem:s5], [sflag:s4] =	dma.local [hbm:s2], $0x1  }
0x93: {  	_ =	swait.eq [sflag:s4], $0x1  }
0x94: {  	[sflag:s4] =	ssyncset.done $0x0  }
0x95: {  	[sflag:s4] =	ssyncadd.s32 $0xFFFFFFFF  }
0x96: {  	s17 =	sld [smem:$0x11];
	(tm) =	ssettm $0x1  }
0x97: {  	s18 =	sld [smem:$0x3FFB];
	_ =	sdelay $0x3  }
0x98: {  	_ =	strace s18  }
0x99: {  	s4 =	sld [smem:$0x3FFC];
	_ =	sdelay $0x3  }
0x9a: {  	_ =	strace s4  }
0x9b: {  	s4 =	sld [smem:$0x3FFD];
	_ =	sdelay $0x3  }
0x9c: {  	_ =	strace s4  }
0x9d: {  	_ =	strace $0x8FFFFFFF  }
0x9e: {  	s19 =	sld [smem:$0x3FDB];
	_ =	sdelay $0x1  }
0x9f: {  	s20 =	simm.s32 $_scs_section_size  }
0xa0: {  	s6 =	simm.s32 $_size__tile_overlayer_lowered;
	s7 =	simm.s32 $_tile_overlayer_lowered  }
0xa1: {  	s23 =	simm.s32 $0x1BFF;
	s22 =	sshll.u32 s7, $0x1;
	s4 =	sadd.s32 s20, s19  }
0xa2: {  	s8 =	simm.s32 $0x0;
	s21 =	sshll.u32 s6, $0x1;
	s6 =	sadd.s32 s22, s4  }
0xa3: {  	[timem:s8], [sflag:s23] =	dma.local [hbm:s6], s21  }
0xa4: {  	_ =	swait.ge [sflag:s23], s21  }
0xa5: {  	s5 =	ssub.s32 $0x0, s21;
	[sflag:s23] =	ssyncset.done $0x0  }
0xa6: {  	[sflag:s23] =	ssyncadd.s32 s5;
	_ =	sdelay $0x1  }
0xa7: {  	s24 =	simm.s32 $0x1B8B  }
0xa8: {  	_ =	swait.ge [sflag:s24], $0x1  }
0xa9: {  	[sflag:s24] =	ssyncset.done $0x0  }
0xaa: {  	s25 =	simm.s32 $0x1B8E;
	[sflag:s24] =	ssyncadd.s32 $0xFFFFFFFF  }
0xab: {  	s26 =	simm.s32 $execute0_lowered;
	[smem:$0x3FD2] =	sst s25  }
0xac: {  	s5 =	sshll.u32 s26, $0x1;
	_ =	strace $0x80000046;
	[dreg:$0x1] =	wrdreg $0xFFFFFFFF  }
0xad: {  	s28 =	simm.s32 $_size_execute0_lowered;
	s4 =	sadd.s32 s4, s5;
	[dreg:$0x0] =	wrdreg $0x0  }
0xae: {  	s5 =	sshll.u32 s28, $0x1;
	[dreg:$0x2] =	wrdreg s4  }
0xaf: {  	[dreg:$0x3] =	wrdreg s5  }
0xb0: {  	[dreg:$0x4] =	wrdreg $0xC0  }
0xb1: {  	_ =	task [dreg:s8], $0x5FFFF  }
0xb2: {  	[dreg:$0x1] =	wrdreg $0xFFFFFFFF  }
0xb3: {  	[dreg:$0x0] =	wrdreg $0x60  }
0xb4: {  	[dreg:$0x2] =	wrdreg s16  }
0xb5: {  	[dreg:$0x3] =	wrdreg s17  }
0xb6: {  	[dreg:$0x4] =	wrdreg $0x9  }
0xb7: {  	_ =	task.clear_ibuf [dreg:s8], $0x5FFFF;
	_ =	strace $0x90000046  }
0xb8: {  	s29 =	simm.s32 $0x9;
	_ =	strace $0x80000048  }
0xb9: {  	_ =	swait.ge [sflag:s29], $0x1  }
0xba: {  	[sflag:s29] =	ssyncadd.s32 $0xFFFFFFFF  }
0xbb: {  	_ =	strace $0x90000048  }
0xbc: {  	_ =	sfence  }
0xbd: {  	s30 =	sld [smem:$0x0];
	_ =	sdelay $0x2  }
0xbe: {  	s31 =	sshll.u32 s1, $0xD;
	s1 =	sshrl.u32 s1, $0x2  }
0xbf: {  	s3 =	sand.u32 $0x4000, s31;
	s1 =	sadd.s32 s1, s30  }
0xc0: {  	s0 =	sor.u32 s3, s0;
	s1 =	sshll.u32 s1, $0x11  }
0xc1: {  	s0 =	sor.u32 s1, s0  }
0xc2: {  	s0 =	sadd.s32 $0x8F2B, s0  }
0xc3: {  	[sflag:s0] =	ssyncadd.remote.s32 $0x1  }
0xc4: {  	_ =	sfence.sel $0xFFFF  }
0xc5: {  	[dreg:$0x0] =	wrdreg $0xFFFFFFFF;
	(pc) =	sbr.abs _section_cstart, $3  }
0xc6: {  	[dreg:$0x1] =	wrdreg $0xFFFFFFFF  }
0xc7: {  	_ =	task.clear_ibuf [dreg:s8], $0x2FFFF;
	_ =	strace $0x9FFFFFFF  }
0xc8: {  	(tm) =	ssettm $0x7FFFFFFF  }
0xc9: {  	_ =	shalt  }
tec
execute0_lowered:
.L_overlay_start_1:
0x0: {  	(tag) =	ssettag $0x1  }
0x1: {  	s1 =	srdreg.scid;
	s0 =	stileid.u32  }
0x2: {  	s3 =	sand.u32 $0x1, s1;
	s5 =	sshll.u32 s0, $0x1  }
0x3: {  	s5 =	sor.u32 s3, s5  }
0x4: {  	p0 =	sgt.u32 s5, $0x18  }
.Ltmp0:
0x5: {  	_ = 	snop;
	(pc) =	sbr.rel @p0 .LBB2_5-.Ltmp0, $4  }
0x6: {  	s7 =	rddreg [dreg:$0x0]  }
0x7: {  	s4 =	rddreg [dreg:$0x1];
	s2 =	simm.s32 $0x0  }
0x8: {  	[smem:$0x7FF] =	sst s2  }
0x9: {  	s1 =	rddreg [dreg:$0x2];
	_ =	strace $0x80000047  }
0xa: {  	s6 =	smul.u32 $0xC800, s5  }
0xb: {  	s8 =	smul.u32 $0x3200, s5  }
0xc: {  	s9 =	smul.u32 $0x1900, s5;
	s31 =	ssub.s32 $0x2, s3  }
0xd: {  	s11 =	simm.s32 $0x2;
	s12 =	simm.s32 $0xC800;
	s13 =	simm.s32 $0x3  }
0xe: {  	s14 =	simm.s32 $0x0;
	s10 =	sshrl.u32 s31, $0x1;
	s29 =	sshrl.u32 s6, $0x3  }
0xf: {  	s30 =	sshrl.u32 s8, $0x3;
	s3 =	sadd.s32 s4, s9;
	s8 =	ssub.s32 s31, s10  }
0x10: {  	s10 =	simm.s32 $0x1;
	s6 =	sadd.s32 $0xC80, s29;
	s5 =	sadd.s32 s4, s30  }
0x11: {  	s8 =	smax.u32 s8, $0x1;
	s4 =	sadd.s32 s4, s6;
	s5 =	sadd.s32 $0x27100, s5  }
0x12: {  	v0 =	vimm.s32 $0x9C40;
	s6 =	sadd.s32 s7, s6;
	s7 =	sadd.s32 s7, s9;
	s9 =	simm.s32 $0x6400  }
.LBB2_2:
0x13: {  	s15 =	simm.s32 $0x0  }
0x14: {  	[tilespmem:s15], [sflag:$0x1] =	stream.linear.gather [hbm4b:s7+s15], $0x6400, $0x38;
	[tilespmem:$0xFA00] =	vst v63  }
0x15: {  	s16 =	sand.u32 $0x70, s15;
	s17 =	sand.u32 $0x3F00, s15  }
0x16: {  	s17 =	sor.u32 s16, s17  }
0x17: {  	[tilespmem:s9], [sflag:$0x2] =	stream.linear.gather [hbm4b:s6+s15], $0x6400, $0x38;
	[tilespmem:$0xFA00] =	vst v63  }
0x18: {  	[tilespmem:s17+$0xC880] =	vst v0  }
0x19: {  	s16 =	simm.s32 $0x10;
	[tilespmem:s17+$0xC800] =	vst v0  }
.LBB2_3:
0x1a: {  	p0 =	sne.s32 s16, $0x18F0  }
.Ltmp1:
0x1b: {  	s17 =	sand.u32 $0x70, s16;
	s15 =	sadd.s32 $0x20, s15;
	(pc) =	sbr.rel @p0 .LBB2_3-.Ltmp1, $4  }
0x1c: {  	s16 =	sadd.s32 $0x10, s16;
	s18 =	sand.u32 $0x3F00, s15  }
0x1d: {  	s17 =	sor.u32 s17, s18  }
0x1e: {  	[tilespmem:s17+$0xC880] =	vst v0  }
0x1f: {  	[tilespmem:s17+$0xC800] =	vst v0  }
0x20: {  	_ =	swait.ge [sflag:s10], $0x6400  }
0x21: {  	[sflag:s10] =	ssyncset.done $0x0  }
0x22: {  	[sflag:s10] =	ssyncadd.s32 $0xFFFF9C00  }
0x23: {  	[hbm4b:s3+s2] =	stream.linear.scatter [tilespmem:s2], [sflag:$0x1], $0x6400, $0x38;
	[tilespmem:$0xFA00] =	vst v63  }
0x24: {  	_ =	swait.ge [sflag:s11], $0x6400  }
0x25: {  	[sflag:s11] =	ssyncset.done $0x0  }
0x26: {  	[sflag:s11] =	ssyncadd.s32 $0xFFFF9C00  }
0x27: {  	[hbm4b:s4+s2] =	stream.linear.scatter [tilespmem:s9], [sflag:$0x2], $0x6400, $0x38;
	[tilespmem:$0xFA00] =	vst v63  }
0x28: {  	_ = 	snop  }
0x29: {  	[hbm4b:s5+s2] =	stream.linear.scatter [tilespmem:s12], [sflag:$0x3], $0x3200, $0x38;
	[tilespmem:$0xFA00] =	vst v63  }
0x2a: {  	_ =	swait.ge [sflag:s10], $0x6400  }
0x2b: {  	[sflag:s10] =	ssyncset.done $0x0  }
0x2c: {  	s14 =	sadd.s32 $0x1, s14;
	[sflag:s10] =	ssyncadd.s32 $0xFFFF9C00  }
0x2d: {  	p0 =	sne.s32 s14, s8;
	_ =	swait.ge [sflag:s11], $0x6400  }
.Ltmp2:
0x2e: {  	[sflag:s11] =	ssyncset.done $0x0;
	(pc) =	sbr.rel @p0 .LBB2_2-.Ltmp2, $4  }
0x2f: {  	[sflag:s11] =	ssyncadd.s32 $0xFFFF9C00  }
0x30: {  	_ =	swait.ge [sflag:s13], $0x3200  }
0x31: {  	[sflag:s13] =	ssyncset.done $0x0  }
0x32: {  	[sflag:s13] =	ssyncadd.s32 $0xFFFFCE00  }
.LBB2_5:
0x33: {  	_ =	sfence.sel $0x180000  }
0x34: {  	[bflag:$0x0] =	sbarrier.arrive $0xFFFF  }
0x35: {  	p0 =	sne.s32 s0, $0x0;
	_ =	strace $0x90000047  }
0x36: {  	s0 =	sadd.s32 @!p0 $0x100000, s1;
	[bflag:$0x2] =	sbarrier.arrive $0xFFFF  }
0x37: {  	[sflag:s0] =	ssyncadd.tile.s32 @!p0 $0x1;
	_ =	shalt  }
.Lfunc_end2:
_tile_overlayer_lowered:
.L_overlay_start_2:
0x38: {  	(tag) =	ssettag $0x2  }
0x39: {  	s0 =	rddreg [dreg:$0x0];
	s2 =	stileid.u32  }
0x3a: {  	s1 =	rddreg [dreg:$0x1];
	p0 =	sne.s32 s2, $0x0  }
0x3b: {  	s3 =	rddreg [dreg:$0x2];
	[bflag:$0x3] =	sbarrier.arrive $0xFFFF;
	s2 =	simm.s32 @!p0 $0x1C04  }
0x3c: {  	[timem:s3], [sflag:s2] =	dma.local @!p0 [hbm:s0], s1  }
0x3d: {  	s0 =	simm.s32 @!p0 $0x4  }
0x3e: {  	_ =	swait.ge @!p0 [sflag:s0], s1  }
0x3f: {  	s1 =	ssub.s32 @!p0 $0x0, s1;
	[sflag:s0] =	ssyncset.done @!p0 $0x0  }
0x40: {  	[sflag:s0] =	ssyncadd.s32 @!p0 s1  }
0x41: {  	[bflag:$0x3] =	sbarrier.arrive $0xFFFF  }
0x42: {  	_ =	shalt  }

</sc_bundles>
